<compile_context>
chip_gen: v7x
topology: tpu7x:2x2x1
jax: 0.10.2.dev20260603
libtpu: 0.0.44.dev20260713+nightly
codegen_flags: <defaults>
</compile_context>

<pallas_src>
import functools

import jax
import jax.numpy as jnp
from jax import lax
from jax.experimental import pallas as pl
from jax.experimental.pallas import tpu as pltpu
from jax.experimental.pallas import tpu_sc as plsc

_NC = 2
_NS = 16
_NW = _NC * _NS

_NEG = float(jnp.finfo(jnp.float32).min)


def _embed_gather_sc(ids_flat, embed_table):
    (B,) = ids_flat.shape
    V, D = embed_table.shape
    b_per_w = B // _NW
    chunk = 4
    n_chunks = b_per_w // chunk

    nbuf = 4
    assert n_chunks % nbuf == 0
    mesh = plsc.VectorSubcoreMesh(core_axis_name="c", subcore_axis_name="s")

    @functools.partial(
        pl.kernel,
        out_type=jax.ShapeDtypeStruct((B, D), jnp.float32),
        mesh=mesh,
        scratch_types=(
            [pltpu.VMEM((n_chunks, chunk), jnp.int32)]
            + [pltpu.VMEM((chunk, D), jnp.float32)] * nbuf
            + [pltpu.SemaphoreType.DMA] * (2 * nbuf)
        ),
    )
    def gather_kernel(table_hbm, idx_hbm, out_hbm, idx_v, *rest):
        bufs = rest[:nbuf]
        gsems = rest[nbuf:2 * nbuf]
        osems = rest[2 * nbuf:]
        wid = lax.axis_index("s") * _NC + lax.axis_index("c")
        base = pl.multiple_of(wid * b_per_w, 8)
        pltpu.sync_copy(idx_hbm.at[wid], idx_v)

        def start_gather(c, b):
            pltpu.async_copy(
                table_hbm.at[idx_v.at[c]], bufs[b], gsems[b])

        def wait_gather(b):
            pltpu.make_async_copy(
                table_hbm.at[idx_v.at[0]], bufs[b], gsems[b]).wait()

        def start_out(c, b):
            pltpu.async_copy(
                bufs[b], out_hbm.at[pl.ds(base + c * chunk, chunk)], osems[b])

        def wait_out(b):
            pltpu.make_async_copy(
                bufs[b], out_hbm.at[pl.ds(base, chunk)], osems[b]).wait()

        lead = 2
        start_gather(0, 0)
        start_gather(1, 1)

        @pl.loop(0, n_chunks, step=nbuf)
        def _(g):
            for b in range(nbuf):
                c = g + b
                bl = (b + lead) % nbuf

                @pl.when(c >= nbuf - lead)
                def _():
                    wait_out(bl)

                @pl.when(c + lead < n_chunks)
                def _():
                    start_gather(c + lead, bl)

                wait_gather(b)
                start_out(c, b)

        wait_out((n_chunks - 2) % nbuf)
        wait_out((n_chunks - 1) % nbuf)

    return gather_kernel(embed_table, ids_flat.reshape(_NW, n_chunks, chunk))


def _mask_body(am_ref, out_ref):
    r = pl.program_id(1)
    tm, s = out_ref.shape[2], out_ref.shape[3]
    i = lax.broadcasted_iota(jnp.int32, (tm, s), 0) + r * tm
    j = lax.broadcasted_iota(jnp.int32, (tm, s), 1)
    causal = jnp.where(i >= j, jnp.float32(0.0), jnp.float32(_NEG))
    am = am_ref[0, 0, :]
    expanded = jnp.where((1.0 - am) != 0.0, jnp.float32(_NEG), jnp.float32(0.0))
    out_ref[0, 0] = causal + expanded[None, :]


def _build_mask_tc(attention_mask, seq):
    bsz = attention_mask.shape[0]
    tm = 256
    grid = (bsz, seq // tm)
    return pl.pallas_call(
        _mask_body,
        grid=grid,
        in_specs=[pl.BlockSpec((1, 1, seq), lambda b, r: (b, 0, 0))],
        out_specs=pl.BlockSpec((1, 1, tm, seq), lambda b, r: (b, 0, r, 0)),
        out_shape=jax.ShapeDtypeStruct((bsz, 1, seq, seq), jnp.float32),
    )(attention_mask.astype(jnp.float32).reshape(bsz, 1, seq))


def kernel(input_ids, attention_mask, embed_table):
    bsz, seq = input_ids.shape
    ids_flat = input_ids.reshape(-1).astype(jnp.int32)
    emb = _embed_gather_sc(ids_flat, embed_table)
    emb = emb.reshape(bsz, seq, embed_table.shape[1])
    mask = _build_mask_tc(attention_mask, seq)
    position_ids = jnp.arange(seq, dtype=jnp.int32)[None, :]
    return (emb, mask, position_ids)

# --- scband reference (transcript-rebuilt; emitter-appended) ---
"""Pipeline reference for scband-llama-embed-layer-86586540687906 (READ-ONLY COPY).

The authoritative reference and input builder live on the scoring server;
editing this copy changes nothing except your own understanding.
"""

import jax, jax.numpy as jnp
import numpy as np

VOCAB = 32000
HIDDEN = 4096
PAD_TOKEN_ID = 0
BATCH = 4
SEQ = 2048


def setup_inputs(seed: int = 0) -> dict:
    key = jax.random.key(seed)
    k1, k2 = jax.random.split(key)
    input_ids = jax.random.randint(k1, (BATCH, SEQ), 0, VOCAB)
    attention_mask = jnp.ones((BATCH, SEQ), dtype=jnp.float32)
    embed_table = jax.random.normal(k2, (VOCAB, HIDDEN), dtype=jnp.float32) * 0.02
    return {"input_ids": input_ids, "attention_mask": attention_mask, "embed_table": embed_table}


def _make_causal_mask(bsz, tgt_len, dtype):
    mn = jnp.finfo(dtype).min
    i = jnp.arange(tgt_len)
    # lower triangle (incl. diagonal) -> 0, above diagonal -> dtype min
    mask = jnp.where(i[:, None] >= i[None, :], jnp.zeros((), dtype), jnp.full((), mn, dtype))
    return jnp.broadcast_to(mask[None, None, :, :], (bsz, 1, tgt_len, tgt_len))


def _expand_mask(mask, dtype, tgt_len):
    bsz, src_len = mask.shape
    mn = jnp.finfo(dtype).min
    expanded = jnp.broadcast_to(mask[:, None, None, :], (bsz, 1, tgt_len, src_len)).astype(dtype)
    inverted = 1.0 - expanded
    return jnp.where(inverted.astype(bool), jnp.full((), mn, dtype), jnp.zeros((), dtype))


def reference(input_ids, attention_mask, embed_table):
    bsz, seq_len = input_ids.shape
    past_key_values_length = 0
    position_ids = jnp.arange(past_key_values_length, seq_len + past_key_values_length, dtype=jnp.int32)
    position_ids = position_ids[None, :].reshape(-1, seq_len)
    # embedding gather
    inputs_embeds = jnp.take(embed_table, input_ids, axis=0)
    # combined decoder attention mask
    combined = _make_causal_mask(bsz, seq_len, inputs_embeds.dtype)
    expanded = _expand_mask(attention_mask, inputs_embeds.dtype, tgt_len=seq_len)
    combined = expanded + combined
    return (inputs_embeds, combined, position_ids)

if __name__ == "__main__":
    import jax
    _d = setup_inputs()
    print(jax.jit(kernel)(*tuple(_d.values())))

</pallas_src>

<mosaic_0001>
#map = affine_map<(d0, d1) -> (0, 0)>
#map1 = affine_map<(d0, d1) -> (0, 0, 0)>
module attributes {stable_mosaic.version = 14 : i64} {
  func.func @gather_kernel(%arg0: i32, %arg1: i32, %arg2: memref<32000x4096xf32, #tpu.memory_space<hbm>>, %arg3: memref<32x64x4xi32, #tpu.memory_space<hbm>>, %arg4: memref<8192x4096xf32, #tpu.memory_space<hbm>>, %arg5: memref<64x4xi32, #tpu.memory_space<vmem>>, %arg6: memref<4x4096xf32, #tpu.memory_space<vmem>>, %arg7: memref<4x4096xf32, #tpu.memory_space<vmem>>, %arg8: memref<4x4096xf32, #tpu.memory_space<vmem>>, %arg9: memref<4x4096xf32, #tpu.memory_space<vmem>>, %arg10: memref<!tpu.dma_semaphore, #tpu.memory_space<semaphore_mem>>, %arg11: memref<!tpu.dma_semaphore, #tpu.memory_space<semaphore_mem>>, %arg12: memref<!tpu.dma_semaphore, #tpu.memory_space<semaphore_mem>>, %arg13: memref<!tpu.dma_semaphore, #tpu.memory_space<semaphore_mem>>, %arg14: memref<!tpu.dma_semaphore, #tpu.memory_space<semaphore_mem>>, %arg15: memref<!tpu.dma_semaphore, #tpu.memory_space<semaphore_mem>>, %arg16: memref<!tpu.dma_semaphore, #tpu.memory_space<semaphore_mem>>, %arg17: memref<!tpu.dma_semaphore, #tpu.memory_space<semaphore_mem>>) attributes {dimension_semantics = [#tpu.dimension_semantics<core_parallel>, #tpu.dimension_semantics<subcore_parallel>], iteration_bounds = array<i64: 2, 16>, scalar_prefetch = 0 : i64, scratch_operands = 13 : i64, tpu.core_type = #tpu.core_type<sc_vector_subcore>, window_params = [{transform_indices = #map}, {transform_indices = #map1}, {transform_indices = #map}]} {
    %mul3A = arith.constant 2 : i32
    %mul3A_0 = arith.muli %arg1, %mul3A : i32
    %add3A = arith.addi %mul3A_0, %arg0 : i32
    %mul3A_1 = arith.constant 256 : i32
    %mul3A_2 = arith.muli %add3A, %mul3A_1 : i32
    %multiple_of3A = tpu.assume_multiple %mul3A_2, 8 : i32
    "tpu.region"() ({
      %run_scoped3A = tpu.sem_alloc : memref<!tpu.dma_semaphore, #tpu.memory_space<semaphore_mem>>
      %dma_start3A_27 = arith.constant 0 : i32
      %dma_start3A_28 = arith.constant 0 : i32
      %dma_start3A_29 = tpu.memref_slice %arg3[%add3A, %dma_start3A_27, %dma_start3A_28] : memref<32x64x4xi32, #tpu.memory_space<hbm>> -> memref<1x64x4xi32, #tpu.memory_space<hbm>>
      %dma_start3A_30 = tpu.memref_squeeze %dma_start3A_29 : memref<1x64x4xi32, #tpu.memory_space<hbm>> -> memref<64x4xi32, #tpu.memory_space<hbm>>
      %dma_start3A_31 = arith.constant 0 : i32
      %dma_start3A_32 = arith.constant 0 : i32
      %dma_start3A_33 = tpu.memref_slice %arg3[%add3A, %dma_start3A_31, %dma_start3A_32] : memref<32x64x4xi32, #tpu.memory_space<hbm>> -> memref<1x64x4xi32, #tpu.memory_space<hbm>>
      %dma_start3A_34 = tpu.memref_squeeze %dma_start3A_33 : memref<1x64x4xi32, #tpu.memory_space<hbm>> -> memref<64x4xi32, #tpu.memory_space<hbm>>
      tpu.enqueue_dma source(%dma_start3A_34 : memref<64x4xi32, #tpu.memory_space<hbm>>) target(%arg5 : memref<64x4xi32, #tpu.memory_space<vmem>>) target_semaphore(%run_scoped3A : memref<!tpu.dma_semaphore, #tpu.memory_space<semaphore_mem>>)
      %dma_wait3A_35 = arith.constant 0 : i32
      %dma_wait3A_36 = arith.constant 0 : i32
      %dma_wait3A_37 = tpu.memref_slice %arg3[%add3A, %dma_wait3A_35, %dma_wait3A_36] : memref<32x64x4xi32, #tpu.memory_space<hbm>> -> memref<1x64x4xi32, #tpu.memory_space<hbm>>
      %dma_wait3A_38 = tpu.memref_squeeze %dma_wait3A_37 : memref<1x64x4xi32, #tpu.memory_space<hbm>> -> memref<64x4xi32, #tpu.memory_space<hbm>>
      %dma_wait3A_39 = arith.constant 0 : i32
      %dma_wait3A_40 = arith.constant 0 : i32
      %dma_wait3A_41 = tpu.memref_slice %arg3[%add3A, %dma_wait3A_39, %dma_wait3A_40] : memref<32x64x4xi32, #tpu.memory_space<hbm>> -> memref<1x64x4xi32, #tpu.memory_space<hbm>>
      %dma_wait3A_42 = tpu.memref_squeeze %dma_wait3A_41 : memref<1x64x4xi32, #tpu.memory_space<hbm>> -> memref<64x4xi32, #tpu.memory_space<hbm>>
      tpu.wait_dma2 semaphore(%run_scoped3A : memref<!tpu.dma_semaphore, #tpu.memory_space<semaphore_mem>>) src(%dma_wait3A_42 : memref<64x4xi32, #tpu.memory_space<hbm>>) dst(%arg5 : memref<64x4xi32, #tpu.memory_space<vmem>>)
      tpu.yield
    }) : () -> ()
    %dma_start3A = arith.constant 0 : i32
    %dma_start3A_3 = arith.constant 0 : i32
    %dma_start3A_4 = tpu.memref_slice %arg5[%dma_start3A, %dma_start3A_3] : memref<64x4xi32, #tpu.memory_space<vmem>> -> memref<1x4xi32, #tpu.memory_space<vmem>>
    %dma_start3A_5 = tpu.memref_squeeze %dma_start3A_4 : memref<1x4xi32, #tpu.memory_space<vmem>> -> memref<4xi32, #tpu.memory_space<vmem>>
    %dma_start3A_6 = arith.constant 0 : i32
    %dma_start3A_7 = arith.constant 0 : i32
    %dma_start3A_8 = tpu.memref_slice %arg2[%dma_start3A_6, %dma_start3A_7] : memref<32000x4096xf32, #tpu.memory_space<hbm>> -> memref<32000x4096xf32, #tpu.memory_space<hbm>>
    tpu.enqueue_indirect_dma source(%dma_start3A_8 : memref<32000x4096xf32, #tpu.memory_space<hbm>>) target(%arg6 : memref<4x4096xf32, #tpu.memory_space<vmem>>) offsets(%dma_start3A_5 : memref<4xi32, #tpu.memory_space<vmem>>) semaphore(%arg10 : memref<!tpu.dma_semaphore, #tpu.memory_space<semaphore_mem>>)
    %dma_start3A_9 = arith.constant 1 : i32
    %dma_start3A_10 = arith.constant 0 : i32
    %dma_start3A_11 = tpu.memref_slice %arg5[%dma_start3A_9, %dma_start3A_10] : memref<64x4xi32, #tpu.memory_space<vmem>> -> memref<1x4xi32, #tpu.memory_space<vmem>>
    %dma_start3A_12 = tpu.memref_squeeze %dma_start3A_11 : memref<1x4xi32, #tpu.memory_space<vmem>> -> memref<4xi32, #tpu.memory_space<vmem>>
    %dma_start3A_13 = arith.constant 0 : i32
    %dma_start3A_14 = arith.constant 0 : i32
    %dma_start3A_15 = tpu.memref_slice %arg2[%dma_start3A_13, %dma_start3A_14] : memref<32000x4096xf32, #tpu.memory_space<hbm>> -> memref<32000x4096xf32, #tpu.memory_space<hbm>>
    tpu.enqueue_indirect_dma source(%dma_start3A_15 : memref<32000x4096xf32, #tpu.memory_space<hbm>>) target(%arg7 : memref<4x4096xf32, #tpu.memory_space<vmem>>) offsets(%dma_start3A_12 : memref<4xi32, #tpu.memory_space<vmem>>) semaphore(%arg11 : memref<!tpu.dma_semaphore, #tpu.memory_space<semaphore_mem>>)
    %scan3A = arith.constant 0 : i32
    %scan3A_16 = arith.constant 16 : i32
    %scan3A_17 = arith.addi %scan3A, %scan3A_16 : i32
    %scan3A_18 = arith.constant 1 : i32
    scf.for %scan3A_27 = %scan3A to %scan3A_17 step %scan3A_18  : i32 {
      %mul3A_28 = arith.constant 4 : i32
      %mul3A_29 = arith.muli %scan3A_27, %mul3A_28 : i32
      %add3A_30 = arith.constant 0 : i32
      %add3A_31 = arith.addi %add3A_30, %mul3A_29 : i32
      %add3A_32 = arith.constant 0 : i32
      %add3A_33 = arith.addi %add3A_31, %add3A_32 : i32
      %ge3A = arith.constant 2 : i32
      %ge3A_34 = arith.cmpi sge, %add3A_33, %ge3A : i32
      %convert_element_type3A = arith.extui %ge3A_34 : i1 to i32
      %cond3A = arith.constant 0 : i32
      %cond3A_35 = arith.cmpi ne, %convert_element_type3A, %cond3A : i32
      scf.if %cond3A_35 {
        %dma_wait3A_140 = arith.constant 0 : i32
        %dma_wait3A_141 = tpu.memref_slice %arg4[%multiple_of3A, %dma_wait3A_140] : memref<8192x4096xf32, #tpu.memory_space<hbm>> -> memref<4x4096xf32, #tpu.memory_space<hbm>>
        %dma_wait3A_142 = arith.constant 0 : i32
        %dma_wait3A_143 = tpu.memref_slice %arg4[%multiple_of3A, %dma_wait3A_142] : memref<8192x4096xf32, #tpu.memory_space<hbm>> -> memref<4x4096xf32, #tpu.memory_space<hbm>>
        tpu.wait_dma2 semaphore(%arg16 : memref<!tpu.dma_semaphore, #tpu.memory_space<semaphore_mem>>) src(%arg8 : memref<4x4096xf32, #tpu.memory_space<vmem>>) dst(%dma_wait3A_143 : memref<4x4096xf32, #tpu.memory_space<hbm>>)
      } else {
      }
      %add3A_36 = arith.constant 2 : i32
      %add3A_37 = arith.addi %add3A_33, %add3A_36 : i32
      %lt3A = arith.constant 64 : i32
      %lt3A_38 = arith.cmpi slt, %add3A_37, %lt3A : i32
      %convert_element_type3A_39 = arith.extui %lt3A_38 : i1 to i32
      %cond3A_40 = arith.constant 0 : i32
      %cond3A_41 = arith.cmpi ne, %convert_element_type3A_39, %cond3A_40 : i32
      scf.if %cond3A_41 {
        %add3A_140 = arith.constant 2 : i32
        %add3A_141 = arith.addi %add3A_33, %add3A_140 : i32
        %dma_start3A_142 = arith.constant 0 : i32
        %dma_start3A_143 = tpu.memref_slice %arg5[%add3A_141, %dma_start3A_142] : memref<64x4xi32, #tpu.memory_space<vmem>> -> memref<1x4xi32, #tpu.memory_space<vmem>>
        %dma_start3A_144 = tpu.memref_squeeze %dma_start3A_143 : memref<1x4xi32, #tpu.memory_space<vmem>> -> memref<4xi32, #tpu.memory_space<vmem>>
        %dma_start3A_145 = arith.constant 0 : i32
        %dma_start3A_146 = arith.constant 0 : i32
        %dma_start3A_147 = tpu.memref_slice %arg2[%dma_start3A_145, %dma_start3A_146] : memref<32000x4096xf32, #tpu.memory_space<hbm>> -> memref<32000x4096xf32, #tpu.memory_space<hbm>>
        tpu.enqueue_indirect_dma source(%dma_start3A_147 : memref<32000x4096xf32, #tpu.memory_space<hbm>>) target(%arg8 : memref<4x4096xf32, #tpu.memory_space<vmem>>) offsets(%dma_start3A_144 : memref<4xi32, #tpu.memory_space<vmem>>) semaphore(%arg12 : memref<!tpu.dma_semaphore, #tpu.memory_space<semaphore_mem>>)
      } else {
      }
      %dma_wait3A_42 = arith.constant 0 : i32
      %dma_wait3A_43 = arith.constant 0 : i32
      %dma_wait3A_44 = tpu.memref_slice %arg5[%dma_wait3A_42, %dma_wait3A_43] : memref<64x4xi32, #tpu.memory_space<vmem>> -> memref<1x4xi32, #tpu.memory_space<vmem>>
      %dma_wait3A_45 = tpu.memref_squeeze %dma_wait3A_44 : memref<1x4xi32, #tpu.memory_space<vmem>> -> memref<4xi32, #tpu.memory_space<vmem>>
      %dma_wait3A_46 = arith.constant 0 : i32
      %dma_wait3A_47 = arith.constant 0 : i32
      %dma_wait3A_48 = tpu.memref_slice %arg2[%dma_wait3A_46, %dma_wait3A_47] : memref<32000x4096xf32, #tpu.memory_space<hbm>> -> memref<32000x4096xf32, #tpu.memory_space<hbm>>
      tpu.wait_indirect_dma semaphore(%arg10 : memref<!tpu.dma_semaphore, #tpu.memory_space<semaphore_mem>>) src(%dma_wait3A_48 : memref<32000x4096xf32, #tpu.memory_space<hbm>>) dst(%arg6 : memref<4x4096xf32, #tpu.memory_space<vmem>>)
      %mul3A_49 = arith.constant 4 : i32
      %mul3A_50 = arith.muli %add3A_33, %mul3A_49 : i32
      %add3A_51 = arith.addi %multiple_of3A, %mul3A_50 : i32
      %dma_start3A_52 = arith.constant 0 : i32
      %dma_start3A_53 = tpu.memref_slice %arg4[%add3A_51, %dma_start3A_52] : memref<8192x4096xf32, #tpu.memory_space<hbm>> -> memref<4x4096xf32, #tpu.memory_space<hbm>>
      %dma_start3A_54 = arith.constant 0 : i32
      %dma_start3A_55 = tpu.memref_slice %arg4[%add3A_51, %dma_start3A_54] : memref<8192x4096xf32, #tpu.memory_space<hbm>> -> memref<4x4096xf32, #tpu.memory_space<hbm>>
      tpu.enqueue_dma source(%arg6 : memref<4x4096xf32, #tpu.memory_space<vmem>>) target(%dma_start3A_55 : memref<4x4096xf32, #tpu.memory_space<hbm>>) target_semaphore(%arg14 : memref<!tpu.dma_semaphore, #tpu.memory_space<semaphore_mem>>)
      %add3A_56 = arith.constant 1 : i32
      %add3A_57 = arith.addi %add3A_31, %add3A_56 : i32
      %ge3A_58 = arith.constant 2 : i32
      %ge3A_59 = arith.cmpi sge, %add3A_57, %ge3A_58 : i32
      %convert_element_type3A_60 = arith.extui %ge3A_59 : i1 to i32
      %cond3A_61 = arith.constant 0 : i32
      %cond3A_62 = arith.cmpi ne, %convert_element_type3A_60, %cond3A_61 : i32
      scf.if %cond3A_62 {
        %dma_wait3A_140 = arith.constant 0 : i32
        %dma_wait3A_141 = tpu.memref_slice %arg4[%multiple_of3A, %dma_wait3A_140] : memref<8192x4096xf32, #tpu.memory_space<hbm>> -> memref<4x4096xf32, #tpu.memory_space<hbm>>
        %dma_wait3A_142 = arith.constant 0 : i32
        %dma_wait3A_143 = tpu.memref_slice %arg4[%multiple_of3A, %dma_wait3A_142] : memref<8192x4096xf32, #tpu.memory_space<hbm>> -> memref<4x4096xf32, #tpu.memory_space<hbm>>
        tpu.wait_dma2 semaphore(%arg17 : memref<!tpu.dma_semaphore, #tpu.memory_space<semaphore_mem>>) src(%arg9 : memref<4x4096xf32, #tpu.memory_space<vmem>>) dst(%dma_wait3A_143 : memref<4x4096xf32, #tpu.memory_space<hbm>>)
      } else {
      }
      %add3A_63 = arith.constant 2 : i32
      %add3A_64 = arith.addi %add3A_57, %add3A_63 : i32
      %lt3A_65 = arith.constant 64 : i32
      %lt3A_66 = arith.cmpi slt, %add3A_64, %lt3A_65 : i32
      %convert_element_type3A_67 = arith.extui %lt3A_66 : i1 to i32
      %cond3A_68 = arith.constant 0 : i32
      %cond3A_69 = arith.cmpi ne, %convert_element_type3A_67, %cond3A_68 : i32
      scf.if %cond3A_69 {
        %add3A_140 = arith.constant 2 : i32
        %add3A_141 = arith.addi %add3A_57, %add3A_140 : i32
        %dma_start3A_142 = arith.constant 0 : i32
        %dma_start3A_143 = tpu.memref_slice %arg5[%add3A_141, %dma_start3A_142] : memref<64x4xi32, #tpu.memory_space<vmem>> -> memref<1x4xi32, #tpu.memory_space<vmem>>
        %dma_start3A_144 = tpu.memref_squeeze %dma_start3A_143 : memref<1x4xi32, #tpu.memory_space<vmem>> -> memref<4xi32, #tpu.memory_space<vmem>>
        %dma_start3A_145 = arith.constant 0 : i32
        %dma_start3A_146 = arith.constant 0 : i32
        %dma_start3A_147 = tpu.memref_slice %arg2[%dma_start3A_145, %dma_start3A_146] : memref<32000x4096xf32, #tpu.memory_space<hbm>> -> memref<32000x4096xf32, #tpu.memory_space<hbm>>
        tpu.enqueue_indirect_dma source(%dma_start3A_147 : memref<32000x4096xf32, #tpu.memory_space<hbm>>) target(%arg9 : memref<4x4096xf32, #tpu.memory_space<vmem>>) offsets(%dma_start3A_144 : memref<4xi32, #tpu.memory_space<vmem>>) semaphore(%arg13 : memref<!tpu.dma_semaphore, #tpu.memory_space<semaphore_mem>>)
      } else {
      }
      %dma_wait3A_70 = arith.constant 0 : i32
      %dma_wait3A_71 = arith.constant 0 : i32
      %dma_wait3A_72 = tpu.memref_slice %arg5[%dma_wait3A_70, %dma_wait3A_71] : memref<64x4xi32, #tpu.memory_space<vmem>> -> memref<1x4xi32, #tpu.memory_space<vmem>>
      %dma_wait3A_73 = tpu.memref_squeeze %dma_wait3A_72 : memref<1x4xi32, #tpu.memory_space<vmem>> -> memref<4xi32, #tpu.memory_space<vmem>>
      %dma_wait3A_74 = arith.constant 0 : i32
      %dma_wait3A_75 = arith.constant 0 : i32
      %dma_wait3A_76 = tpu.memref_slice %arg2[%dma_wait3A_74, %dma_wait3A_75] : memref<32000x4096xf32, #tpu.memory_space<hbm>> -> memref<32000x4096xf32, #tpu.memory_space<hbm>>
      tpu.wait_indirect_dma semaphore(%arg11 : memref<!tpu.dma_semaphore, #tpu.memory_space<semaphore_mem>>) src(%dma_wait3A_76 : memref<32000x4096xf32, #tpu.memory_space<hbm>>) dst(%arg7 : memref<4x4096xf32, #tpu.memory_space<vmem>>)
      %mul3A_77 = arith.constant 4 : i32
      %mul3A_78 = arith.muli %add3A_57, %mul3A_77 : i32
      %add3A_79 = arith.addi %multiple_of3A, %mul3A_78 : i32
      %dma_start3A_80 = arith.constant 0 : i32
      %dma_start3A_81 = tpu.memref_slice %arg4[%add3A_79, %dma_start3A_80] : memref<8192x4096xf32, #tpu.memory_space<hbm>> -> memref<4x4096xf32, #tpu.memory_space<hbm>>
      %dma_start3A_82 = arith.constant 0 : i32
      %dma_start3A_83 = tpu.memref_slice %arg4[%add3A_79, %dma_start3A_82] : memref<8192x4096xf32, #tpu.memory_space<hbm>> -> memref<4x4096xf32, #tpu.memory_space<hbm>>
      tpu.enqueue_dma source(%arg7 : memref<4x4096xf32, #tpu.memory_space<vmem>>) target(%dma_start3A_83 : memref<4x4096xf32, #tpu.memory_space<hbm>>) target_semaphore(%arg15 : memref<!tpu.dma_semaphore, #tpu.memory_space<semaphore_mem>>)
      %add3A_84 = arith.constant 2 : i32
      %add3A_85 = arith.addi %add3A_31, %add3A_84 : i32
      %ge3A_86 = arith.constant 2 : i32
      %ge3A_87 = arith.cmpi sge, %add3A_85, %ge3A_86 : i32
      %convert_element_type3A_88 = arith.extui %ge3A_87 : i1 to i32
      %cond3A_89 = arith.constant 0 : i32
      %cond3A_90 = arith.cmpi ne, %convert_element_type3A_88, %cond3A_89 : i32
      scf.if %cond3A_90 {
        %dma_wait3A_140 = arith.constant 0 : i32
        %dma_wait3A_141 = tpu.memref_slice %arg4[%multiple_of3A, %dma_wait3A_140] : memref<8192x4096xf32, #tpu.memory_space<hbm>> -> memref<4x4096xf32, #tpu.memory_space<hbm>>
        %dma_wait3A_142 = arith.constant 0 : i32
        %dma_wait3A_143 = tpu.memref_slice %arg4[%multiple_of3A, %dma_wait3A_142] : memref<8192x4096xf32, #tpu.memory_space<hbm>> -> memref<4x4096xf32, #tpu.memory_space<hbm>>
        tpu.wait_dma2 semaphore(%arg14 : memref<!tpu.dma_semaphore, #tpu.memory_space<semaphore_mem>>) src(%arg6 : memref<4x4096xf32, #tpu.memory_space<vmem>>) dst(%dma_wait3A_143 : memref<4x4096xf32, #tpu.memory_space<hbm>>)
      } else {
      }
      %add3A_91 = arith.constant 2 : i32
      %add3A_92 = arith.addi %add3A_85, %add3A_91 : i32
      %lt3A_93 = arith.constant 64 : i32
      %lt3A_94 = arith.cmpi slt, %add3A_92, %lt3A_93 : i32
      %convert_element_type3A_95 = arith.extui %lt3A_94 : i1 to i32
      %cond3A_96 = arith.constant 0 : i32
      %cond3A_97 = arith.cmpi ne, %convert_element_type3A_95, %cond3A_96 : i32
      scf.if %cond3A_97 {
        %add3A_140 = arith.constant 2 : i32
        %add3A_141 = arith.addi %add3A_85, %add3A_140 : i32
        %dma_start3A_142 = arith.constant 0 : i32
        %dma_start3A_143 = tpu.memref_slice %arg5[%add3A_141, %dma_start3A_142] : memref<64x4xi32, #tpu.memory_space<vmem>> -> memref<1x4xi32, #tpu.memory_space<vmem>>
        %dma_start3A_144 = tpu.memref_squeeze %dma_start3A_143 : memref<1x4xi32, #tpu.memory_space<vmem>> -> memref<4xi32, #tpu.memory_space<vmem>>
        %dma_start3A_145 = arith.constant 0 : i32
        %dma_start3A_146 = arith.constant 0 : i32
        %dma_start3A_147 = tpu.memref_slice %arg2[%dma_start3A_145, %dma_start3A_146] : memref<32000x4096xf32, #tpu.memory_space<hbm>> -> memref<32000x4096xf32, #tpu.memory_space<hbm>>
        tpu.enqueue_indirect_dma source(%dma_start3A_147 : memref<32000x4096xf32, #tpu.memory_space<hbm>>) target(%arg6 : memref<4x4096xf32, #tpu.memory_space<vmem>>) offsets(%dma_start3A_144 : memref<4xi32, #tpu.memory_space<vmem>>) semaphore(%arg10 : memref<!tpu.dma_semaphore, #tpu.memory_space<semaphore_mem>>)
      } else {
      }
      %dma_wait3A_98 = arith.constant 0 : i32
      %dma_wait3A_99 = arith.constant 0 : i32
      %dma_wait3A_100 = tpu.memref_slice %arg5[%dma_wait3A_98, %dma_wait3A_99] : memref<64x4xi32, #tpu.memory_space<vmem>> -> memref<1x4xi32, #tpu.memory_space<vmem>>
      %dma_wait3A_101 = tpu.memref_squeeze %dma_wait3A_100 : memref<1x4xi32, #tpu.memory_space<vmem>> -> memref<4xi32, #tpu.memory_space<vmem>>
      %dma_wait3A_102 = arith.constant 0 : i32
      %dma_wait3A_103 = arith.constant 0 : i32
      %dma_wait3A_104 = tpu.memref_slice %arg2[%dma_wait3A_102, %dma_wait3A_103] : memref<32000x4096xf32, #tpu.memory_space<hbm>> -> memref<32000x4096xf32, #tpu.memory_space<hbm>>
      tpu.wait_indirect_dma semaphore(%arg12 : memref<!tpu.dma_semaphore, #tpu.memory_space<semaphore_mem>>) src(%dma_wait3A_104 : memref<32000x4096xf32, #tpu.memory_space<hbm>>) dst(%arg8 : memref<4x4096xf32, #tpu.memory_space<vmem>>)
      %mul3A_105 = arith.constant 4 : i32
      %mul3A_106 = arith.muli %add3A_85, %mul3A_105 : i32
      %add3A_107 = arith.addi %multiple_of3A, %mul3A_106 : i32
      %dma_start3A_108 = arith.constant 0 : i32
      %dma_start3A_109 = tpu.memref_slice %arg4[%add3A_107, %dma_start3A_108] : memref<8192x4096xf32, #tpu.memory_space<hbm>> -> memref<4x4096xf32, #tpu.memory_space<hbm>>
      %dma_start3A_110 = arith.constant 0 : i32
      %dma_start3A_111 = tpu.memref_slice %arg4[%add3A_107, %dma_start3A_110] : memref<8192x4096xf32, #tpu.memory_space<hbm>> -> memref<4x4096xf32, #tpu.memory_space<hbm>>
      tpu.enqueue_dma source(%arg8 : memref<4x4096xf32, #tpu.memory_space<vmem>>) target(%dma_start3A_111 : memref<4x4096xf32, #tpu.memory_space<hbm>>) target_semaphore(%arg16 : memref<!tpu.dma_semaphore, #tpu.memory_space<semaphore_mem>>)
      %add3A_112 = arith.constant 3 : i32
      %add3A_113 = arith.addi %add3A_31, %add3A_112 : i32
      %ge3A_114 = arith.constant 2 : i32
      %ge3A_115 = arith.cmpi sge, %add3A_113, %ge3A_114 : i32
      %convert_element_type3A_116 = arith.extui %ge3A_115 : i1 to i32
      %cond3A_117 = arith.constant 0 : i32
      %cond3A_118 = arith.cmpi ne, %convert_element_type3A_116, %cond3A_117 : i32
      scf.if %cond3A_118 {
        %dma_wait3A_140 = arith.constant 0 : i32
        %dma_wait3A_141 = tpu.memref_slice %arg4[%multiple_of3A, %dma_wait3A_140] : memref<8192x4096xf32, #tpu.memory_space<hbm>> -> memref<4x4096xf32, #tpu.memory_space<hbm>>
        %dma_wait3A_142 = arith.constant 0 : i32
        %dma_wait3A_143 = tpu.memref_slice %arg4[%multiple_of3A, %dma_wait3A_142] : memref<8192x4096xf32, #tpu.memory_space<hbm>> -> memref<4x4096xf32, #tpu.memory_space<hbm>>
        tpu.wait_dma2 semaphore(%arg15 : memref<!tpu.dma_semaphore, #tpu.memory_space<semaphore_mem>>) src(%arg7 : memref<4x4096xf32, #tpu.memory_space<vmem>>) dst(%dma_wait3A_143 : memref<4x4096xf32, #tpu.memory_space<hbm>>)
      } else {
      }
      %add3A_119 = arith.constant 2 : i32
      %add3A_120 = arith.addi %add3A_113, %add3A_119 : i32
      %lt3A_121 = arith.constant 64 : i32
      %lt3A_122 = arith.cmpi slt, %add3A_120, %lt3A_121 : i32
      %convert_element_type3A_123 = arith.extui %lt3A_122 : i1 to i32
      %cond3A_124 = arith.constant 0 : i32
      %cond3A_125 = arith.cmpi ne, %convert_element_type3A_123, %cond3A_124 : i32
      scf.if %cond3A_125 {
        %add3A_140 = arith.constant 2 : i32
        %add3A_141 = arith.addi %add3A_113, %add3A_140 : i32
        %dma_start3A_142 = arith.constant 0 : i32
        %dma_start3A_143 = tpu.memref_slice %arg5[%add3A_141, %dma_start3A_142] : memref<64x4xi32, #tpu.memory_space<vmem>> -> memref<1x4xi32, #tpu.memory_space<vmem>>
        %dma_start3A_144 = tpu.memref_squeeze %dma_start3A_143 : memref<1x4xi32, #tpu.memory_space<vmem>> -> memref<4xi32, #tpu.memory_space<vmem>>
        %dma_start3A_145 = arith.constant 0 : i32
        %dma_start3A_146 = arith.constant 0 : i32
        %dma_start3A_147 = tpu.memref_slice %arg2[%dma_start3A_145, %dma_start3A_146] : memref<32000x4096xf32, #tpu.memory_space<hbm>> -> memref<32000x4096xf32, #tpu.memory_space<hbm>>
        tpu.enqueue_indirect_dma source(%dma_start3A_147 : memref<32000x4096xf32, #tpu.memory_space<hbm>>) target(%arg7 : memref<4x4096xf32, #tpu.memory_space<vmem>>) offsets(%dma_start3A_144 : memref<4xi32, #tpu.memory_space<vmem>>) semaphore(%arg11 : memref<!tpu.dma_semaphore, #tpu.memory_space<semaphore_mem>>)
      } else {
      }
      %dma_wait3A_126 = arith.constant 0 : i32
      %dma_wait3A_127 = arith.constant 0 : i32
      %dma_wait3A_128 = tpu.memref_slice %arg5[%dma_wait3A_126, %dma_wait3A_127] : memref<64x4xi32, #tpu.memory_space<vmem>> -> memref<1x4xi32, #tpu.memory_space<vmem>>
      %dma_wait3A_129 = tpu.memref_squeeze %dma_wait3A_128 : memref<1x4xi32, #tpu.memory_space<vmem>> -> memref<4xi32, #tpu.memory_space<vmem>>
      %dma_wait3A_130 = arith.constant 0 : i32
      %dma_wait3A_131 = arith.constant 0 : i32
      %dma_wait3A_132 = tpu.memref_slice %arg2[%dma_wait3A_130, %dma_wait3A_131] : memref<32000x4096xf32, #tpu.memory_space<hbm>> -> memref<32000x4096xf32, #tpu.memory_space<hbm>>
      tpu.wait_indirect_dma semaphore(%arg13 : memref<!tpu.dma_semaphore, #tpu.memory_space<semaphore_mem>>) src(%dma_wait3A_132 : memref<32000x4096xf32, #tpu.memory_space<hbm>>) dst(%arg9 : memref<4x4096xf32, #tpu.memory_space<vmem>>)
      %mul3A_133 = arith.constant 4 : i32
      %mul3A_134 = arith.muli %add3A_113, %mul3A_133 : i32
      %add3A_135 = arith.addi %multiple_of3A, %mul3A_134 : i32
      %dma_start3A_136 = arith.constant 0 : i32
      %dma_start3A_137 = tpu.memref_slice %arg4[%add3A_135, %dma_start3A_136] : memref<8192x4096xf32, #tpu.memory_space<hbm>> -> memref<4x4096xf32, #tpu.memory_space<hbm>>
      %dma_start3A_138 = arith.constant 0 : i32
      %dma_start3A_139 = tpu.memref_slice %arg4[%add3A_135, %dma_start3A_138] : memref<8192x4096xf32, #tpu.memory_space<hbm>> -> memref<4x4096xf32, #tpu.memory_space<hbm>>
      tpu.enqueue_dma source(%arg9 : memref<4x4096xf32, #tpu.memory_space<vmem>>) target(%dma_start3A_139 : memref<4x4096xf32, #tpu.memory_space<hbm>>) target_semaphore(%arg17 : memref<!tpu.dma_semaphore, #tpu.memory_space<semaphore_mem>>)
    }
    %scan3A_19 = arith.constant 16 : i32
    %dma_wait3A = arith.constant 0 : i32
    %dma_wait3A_20 = tpu.memref_slice %arg4[%multiple_of3A, %dma_wait3A] : memref<8192x4096xf32, #tpu.memory_space<hbm>> -> memref<4x4096xf32, #tpu.memory_space<hbm>>
    %dma_wait3A_21 = arith.constant 0 : i32
    %dma_wait3A_22 = tpu.memref_slice %arg4[%multiple_of3A, %dma_wait3A_21] : memref<8192x4096xf32, #tpu.memory_space<hbm>> -> memref<4x4096xf32, #tpu.memory_space<hbm>>
    tpu.wait_dma2 semaphore(%arg16 : memref<!tpu.dma_semaphore, #tpu.memory_space<semaphore_mem>>) src(%arg8 : memref<4x4096xf32, #tpu.memory_space<vmem>>) dst(%dma_wait3A_22 : memref<4x4096xf32, #tpu.memory_space<hbm>>)
    %dma_wait3A_23 = arith.constant 0 : i32
    %dma_wait3A_24 = tpu.memref_slice %arg4[%multiple_of3A, %dma_wait3A_23] : memref<8192x4096xf32, #tpu.memory_space<hbm>> -> memref<4x4096xf32, #tpu.memory_space<hbm>>
    %dma_wait3A_25 = arith.constant 0 : i32
    %dma_wait3A_26 = tpu.memref_slice %arg4[%multiple_of3A, %dma_wait3A_25] : memref<8192x4096xf32, #tpu.memory_space<hbm>> -> memref<4x4096xf32, #tpu.memory_space<hbm>>
    tpu.wait_dma2 semaphore(%arg17 : memref<!tpu.dma_semaphore, #tpu.memory_space<semaphore_mem>>) src(%arg9 : memref<4x4096xf32, #tpu.memory_space<vmem>>) dst(%dma_wait3A_26 : memref<4x4096xf32, #tpu.memory_space<hbm>>)
    return
  }
}

module attributes {stable_mosaic.version = 14 : i64} {
  func.func @_mask_body(%arg0: i32, %arg1: i32, %arg2: memref<1x1x2048xf32, #tpu.memory_space<vmem>>, %arg3: memref<1x1x256x2048xf32, #tpu.memory_space<vmem>>) attributes {dimension_semantics = [#tpu.dimension_semantics<arbitrary>, #tpu.dimension_semantics<arbitrary>], iteration_bounds = array<i64: 4, 8>, scalar_prefetch = 0 : i64, scratch_operands = 0 : i64, tpu.core_type = #tpu.core_type<tc>, window_params = [{transform_indices = @transform_0, window_bounds = array<i64: 1, 1, 2048>}, {transform_indices = @transform_1, window_bounds = array<i64: 1, 1, 256, 2048>}]} {
    %iota3A = tpu.iota {dimensions = array<i32: 0>} : vector<256x2048xi32>
    %mul3A = arith.constant 256 : i32
    %mul3A_0 = arith.muli %arg1, %mul3A : i32
    %add3A = vector.broadcast %mul3A_0 : i32 to vector<256x2048xi32>
    %add3A_1 = arith.addi %iota3A, %add3A : vector<256x2048xi32>
    %iota3A_2 = tpu.iota {dimensions = array<i32: 1>} : vector<256x2048xi32>
    %ge3A = arith.cmpi sge, %add3A_1, %iota3A_2 : vector<256x2048xi32>
    %jit3A = arith.constant 0.000000e+00 : f32
    %jit3A_3 = arith.constant -3.40282347E+38 : f32
    %broadcast_in_dim3A = vector.broadcast %jit3A : f32 to vector<256x2048xf32>
    %broadcast_in_dim3A_4 = vector.broadcast %jit3A_3 : f32 to vector<256x2048xf32>
    %select_n3A = arith.select %ge3A, %broadcast_in_dim3A, %broadcast_in_dim3A_4 : vector<256x2048xi1>, vector<256x2048xf32>
    %get3A = arith.constant 0 : index
    %get3A_5 = arith.constant 0 : index
    %get3A_6 = arith.constant 0 : index
    %get3A_7 = vector.load %arg2[%get3A, %get3A_5, %get3A_6] : memref<1x1x2048xf32, #tpu.memory_space<vmem>>, vector<1x1x2048xf32>
    %get3A_8 = vector.shape_cast %get3A_7 : vector<1x1x2048xf32> to vector<2048xf32>
    %sub3A = arith.constant 1.000000e+00 : f32
    %sub3A_9 = vector.broadcast %sub3A : f32 to vector<2048xf32>
    %sub3A_10 = arith.subf %sub3A_9, %get3A_8 : vector<2048xf32>
    %ne3A = arith.constant 0.000000e+00 : f32
    %ne3A_11 = vector.broadcast %ne3A : f32 to vector<2048xf32>
    %ne3A_12 = arith.cmpf one, %sub3A_10, %ne3A_11 : vector<2048xf32>
    %jit3A_13 = arith.constant -3.40282347E+38 : f32
    %jit3A_14 = arith.constant 0.000000e+00 : f32
    %broadcast_in_dim3A_15 = vector.broadcast %jit3A_13 : f32 to vector<2048xf32>
    %broadcast_in_dim3A_16 = vector.broadcast %jit3A_14 : f32 to vector<2048xf32>
    %select_n3A_17 = arith.select %ne3A_12, %broadcast_in_dim3A_15, %broadcast_in_dim3A_16 : vector<2048xi1>, vector<2048xf32>
    %broadcast_in_dim3A_18 = vector.shape_cast %select_n3A_17 : vector<2048xf32> to vector<1x2048xf32>
    %add3A_19 = vector.broadcast %broadcast_in_dim3A_18 : vector<1x2048xf32> to vector<256x2048xf32>
    %add3A_20 = arith.addf %select_n3A, %add3A_19 : vector<256x2048xf32>
    %swap3A = arith.constant 0 : index
    %swap3A_21 = arith.constant 0 : index
    %swap3A_22 = arith.constant 0 : index
    %swap3A_23 = arith.constant 0 : index
    %swap3A_24 = vector.load %arg3[%swap3A, %swap3A_21, %swap3A_22, %swap3A_23] : memref<1x1x256x2048xf32, #tpu.memory_space<vmem>>, vector<1x1x256x2048xf32>
    %swap3A_25 = vector.shape_cast %swap3A_24 : vector<1x1x256x2048xf32> to vector<256x2048xf32>
    %swap3A_26 = vector.shape_cast %add3A_20 : vector<256x2048xf32> to vector<1x1x256x2048xf32>
    tpu.vector_store %arg3[%swap3A, %swap3A_21, %swap3A_22, %swap3A_23], %swap3A_26 {strides = array<i32>} : memref<1x1x256x2048xf32, #tpu.memory_space<vmem>>, vector<1x1x256x2048xf32>,
    return
  }
  func.func @transform_0(%arg0: i32, %arg1: i32) -> (i32, i32, i32) {
    %c0_i32 = arith.constant 0 : i32
    %c0_i32_0 = arith.constant 0 : i32
    %c0_i32_1 = arith.constant 0 : i32
    return %arg0, %c0_i32, %c0_i32_0 : i32, i32, i32
  }
  func.func @transform_1(%arg0: i32, %arg1: i32) -> (i32, i32, i32, i32) {
    %c0_i32 = arith.constant 0 : i32
    %c0_i32_0 = arith.constant 0 : i32
    %c0_i32_1 = arith.constant 0 : i32
    return %arg0, %c0_i32, %arg1, %c0_i32_0 : i32, i32, i32, i32
  }
}

</mosaic_0001>

<sc_bundles>
// kernel: kernel.4.cloned.1.call-start
scs
__scs_entry_jumppad:
0x0: {  	(pc) =	sbr.rel $0x88, $3  }
0x1: {  	(tag) =	ssettag $0x0;
	lr =	simm.s32 $0x1  }
0x2: {  	[smem:$0x3F9E] =	sst lr;
	_ =	strace $0xD0000000  }
0x3: {  	_ = 	snop  }
0x4: {  	_ = 	snop  }
0x5: {  	_ = 	snop  }
0x6: {  	_ = 	snop  }
0x7: {  	_ = 	snop  }
__scs_overlays_trampoline_lowered:
0x8: {  	[smem:$0x3FAD] =	sst s0  }
0x9: {  	[smem:$0x3FAE] =	sst s1  }
0xa: {  	[smem:$0x3FAF] =	sst s2  }
0xb: {  	[smem:$0x3FB0] =	sst s3  }
0xc: {  	[smem:$0x3FB1] =	sst s4  }
0xd: {  	[smem:$0x3FB2] =	sst s5  }
0xe: {  	[smem:$0x3FB3] =	sst s6  }
0xf: {  	[smem:$0x3FB4] =	sst s7  }
0x10: {  	[smem:$0x3FB5] =	sst s8  }
0x11: {  	[smem:$0x3FB6] =	sst s9;
	s0 =	simm.s32 @!p0 $0x0  }
0x12: {  	s1 =	sld [smem:$0x3F9C];
	s0 =	simm.s32 @p0 $0x1  }
0x13: {  	[smem:$0x3FB7] =	sst s0;
	s0 =	simm.s32 @!p1 $0x0  }
0x14: {  	s2 =	sld [smem:$0x3F9B];
	s0 =	simm.s32 @p1 $0x1  }
0x15: {  	[smem:$0x3FB8] =	sst s0;
	s0 =	simm.s32 @!p2 $0x0  }
0x16: {  	s3 =	sld [smem:$0x3FDB];
	s0 =	simm.s32 @p2 $0x1  }
0x17: {  	s4 =	simm.s32 $0x1BF5;
	[smem:$0x3FBA] =	sst s0  }
0x18: {  	s0 =	sld [smem:$0x3F9D];
	_ =	swait.ge [sflag:s4], $0x0  }
0x19: {  	s7 =	sld [smem:$0x3F9E]  }
0x1a: {  	s8 =	sadd.s32 $0xFFFFE003, lr  }
0x1b: {  	s9 =	sadd.s32 $0xFFFFFEF7, lr;
	s5 =	simm.s32 $0xFFFFFFFF;
	p2 =	slt.u32 s8, $0xFFFFF086  }
0x1c: {  	p1 =	slt.u32 s9, $0xF7A;
	s5 =	simm.s32 @!p2 $0x0  }
0x1d: {  	s5 =	simm.s32 @p1 $0x1;
	p0 =	seq.s32 s7, s2  }
0x1e: {  	s7 =	smul.u32 @!p0 $0xF7A, s2;
	p2 =	seq.s32 @!p0 s5, $0x0  }
0x1f: {  	s9 =	smul.u32 $0xF7A, s1;
	s8 =	simm.s32 @!p0 $0x1BF5;
	p2 =	por !p2, p0  }
0x20: {  	[sflag:s8] =	ssyncset.s32 @!p0 $0xFFFFF086;
	s6 =	sadd.s32 @!p0 s3, s7;
	s7 =	simm.s32 @!p0 $0x108  }
0x21: {  	s3 =	sadd.s32 s3, s9;
	s6 =	sadd.s32 @!p0 $0x88, s6;
	s7 =	simm.s32 @p2 $0x1082  }
0x22: {  	[simem:s7], [sflag:s8] =	dma.local @!p0 [hbm:s6], $0xF7A  }
0x23: {  	s9 =	sor.u32 $0xD0000000, s2;
	s6 =	simm.s32 $0x108;
	_ =	swait.ge @!p0 [sflag:s8], $0x0  }
0x24: {  	s3 =	sadd.s32 $0x88, s3;
	s6 =	simm.s32 @!p1 $0x1082;
	[sflag:s4] =	ssyncset.s32 $0xFFFFF086  }
0x25: {  	[simem:s6], [sflag:s4] =	dma.local [hbm:s3], $0xF7A  }
0x26: {  	[smem:$0x3F9E] =	sst s1;
	(tag) =	ssettag s2;
	_ =	strace s9  }
0x27: {  	s1 =	sld [smem:$0x3FAE]  }
0x28: {  	s2 =	sld [smem:$0x3FAF]  }
0x29: {  	s4 =	sld [smem:$0x3FB1]  }
0x2a: {  	p0 =	seq.s32 s5, $0x0;
	s5 =	sld [smem:$0x3FB2]  }
0x2b: {  	s6 =	sld [smem:$0x3FB3]  }
0x2c: {  	s7 =	sld [smem:$0x3FB4]  }
0x2d: {  	s3 =	simm.s32 $0x108;
	s8 =	sld [smem:$0x3FB5]  }
0x2e: {  	s3 =	simm.s32 @!p0 $0x1082;
	s9 =	sld [smem:$0x3FB6]  }
0x2f: {  	lr =	sadd.s32 s0, s3;
	s0 =	sld [smem:$0x3FAD]  }
0x30: {  	s3 =	sld [smem:$0x3FB0]  }
0x31: {  	[smem:$0x3FB9] =	sst s10  }
0x32: {  	s10 =	sld [smem:$0x3FB7];
	_ =	sdelay $0x3  }
0x33: {  	p0 =	seq.s32 s10, $0x1;
	s10 =	sld [smem:$0x3FB9];
	_ =	sdelay $0x3  }
0x34: {  	[smem:$0x3FB9] =	sst s10  }
0x35: {  	s10 =	sld [smem:$0x3FB8];
	_ =	sdelay $0x3  }
0x36: {  	p1 =	seq.s32 s10, $0x1;
	s10 =	sld [smem:$0x3FB9];
	_ =	sdelay $0x3  }
0x37: {  	[smem:$0x3FB9] =	sst s10  }
0x38: {  	s10 =	sld [smem:$0x3FBA]  }
0x39: {  	_ = 	snop;
	(pc) =	sbr.ind lr, $3  }
0x3a: {  	_ = 	snop  }
0x3b: {  	_ = 	snop  }
0x3c: {  	p2 =	seq.s32 s10, $0x1;
	s10 =	sld [smem:$0x3FB9]  }
0x3d: {  	_ =	shalt  }
0x3e: {  	_ =	shalt  }
0x3f: {  	_ =	shalt  }
0x40: {  	_ =	shalt  }
0x41: {  	_ =	shalt  }
0x42: {  	_ =	shalt  }
0x43: {  	_ =	shalt  }
0x44: {  	_ =	shalt  }
0x45: {  	_ =	shalt  }
0x46: {  	_ =	shalt  }
0x47: {  	_ =	shalt  }
0x48: {  	_ =	shalt  }
0x49: {  	_ =	shalt  }
0x4a: {  	_ =	shalt  }
0x4b: {  	_ =	shalt  }
0x4c: {  	_ =	shalt  }
0x4d: {  	_ =	shalt  }
0x4e: {  	_ =	shalt  }
0x4f: {  	_ =	shalt  }
0x50: {  	_ =	shalt  }
0x51: {  	_ =	shalt  }
0x52: {  	_ =	shalt  }
0x53: {  	_ =	shalt  }
0x54: {  	_ =	shalt  }
0x55: {  	_ =	shalt  }
0x56: {  	_ =	shalt  }
0x57: {  	_ =	shalt  }
0x58: {  	_ =	shalt  }
0x59: {  	_ =	shalt  }
0x5a: {  	_ =	shalt  }
0x5b: {  	_ =	shalt  }
0x5c: {  	_ =	shalt  }
0x5d: {  	_ =	shalt  }
0x5e: {  	_ =	shalt  }
0x5f: {  	_ =	shalt  }
0x60: {  	_ =	shalt  }
0x61: {  	_ =	shalt  }
0x62: {  	_ =	shalt  }
0x63: {  	_ =	shalt  }
0x64: {  	_ =	shalt  }
0x65: {  	_ =	shalt  }
0x66: {  	_ =	shalt  }
0x67: {  	_ =	shalt  }
0x68: {  	_ =	shalt  }
0x69: {  	_ =	shalt  }
0x6a: {  	_ =	shalt  }
0x6b: {  	_ =	shalt  }
0x6c: {  	_ =	shalt  }
0x6d: {  	_ =	shalt  }
0x6e: {  	_ =	shalt  }
0x6f: {  	_ =	shalt  }
0x70: {  	_ =	shalt  }
0x71: {  	_ =	shalt  }
0x72: {  	_ =	shalt  }
0x73: {  	_ =	shalt  }
0x74: {  	_ =	shalt  }
0x75: {  	_ =	shalt  }
0x76: {  	_ =	shalt  }
0x77: {  	_ =	shalt  }
0x78: {  	_ =	shalt  }
0x79: {  	_ =	shalt  }
0x7a: {  	_ =	shalt  }
0x7b: {  	_ =	shalt  }
0x7c: {  	_ =	shalt  }
0x7d: {  	_ =	shalt  }
0x7e: {  	_ =	shalt  }
0x7f: {  	_ =	shalt  }
0x80: {  	_ =	shalt  }
0x81: {  	_ =	shalt  }
0x82: {  	_ =	shalt  }
0x83: {  	_ =	shalt  }
0x84: {  	_ =	shalt  }
0x85: {  	_ =	shalt  }
0x86: {  	_ =	shalt  }
0x87: {  	_ =	shalt  }
.Lfunc_end0:
.L_simem_size_0:
called_computation_lowered:
.L_overlay_start_0:
0x88: {  	s2 =	sld [smem:$0x3FD9]  }
0x89: {  	s3 =	sld [smem:$0x3FFE];
	_ =	sdelay $0x1  }
0x8a: {  	s1 =	srdreg.scid  }
0x8b: {  	s0 =	sand.u32 $0x1, s1  }
0x8c: {  	s14 =	sshll.u32 s0, $0xA;
	s2 =	sadd.s32 s3, s2  }
0x8d: {  	s2 =	sadd.s32 s2, s14  }
0x8e: {  	[smem:$0x3FC5] =	sst s2  }
0x8f: {  	_ = 	snop  }
0x90: {  	s2 =	sld [smem:$0x3FD0];
	_ =	sdelay $0x2  }
0x91: {  	s4 =	simm.s32 $0xA;
	s5 =	simm.s32 $0x10;
	s15 =	sld [smem:$0x3FC7]  }
0x92: {  	[smem:s5], [sflag:s4] =	dma.local [hbm:s2], $0x1  }
0x93: {  	_ =	swait.eq [sflag:s4], $0x1  }
0x94: {  	[sflag:s4] =	ssyncset.done $0x0  }
0x95: {  	[sflag:s4] =	ssyncadd.s32 $0xFFFFFFFF  }
0x96: {  	s16 =	sld [smem:$0x10];
	(tm) =	ssettm $0x1  }
0x97: {  	s17 =	sld [smem:$0x3FFB];
	_ =	sdelay $0x3  }
0x98: {  	_ =	strace s17  }
0x99: {  	s4 =	sld [smem:$0x3FFC];
	_ =	sdelay $0x3  }
0x9a: {  	_ =	strace s4  }
0x9b: {  	s4 =	sld [smem:$0x3FFD];
	_ =	sdelay $0x3  }
0x9c: {  	_ =	strace s4  }
0x9d: {  	_ =	strace $0x8FFFFFFF  }
0x9e: {  	s18 =	sld [smem:$0x3FDB];
	_ =	sdelay $0x1  }
0x9f: {  	s19 =	simm.s32 $_scs_section_size  }
0xa0: {  	s6 =	simm.s32 $_size__tile_overlayer_lowered;
	s7 =	simm.s32 $_tile_overlayer_lowered  }
0xa1: {  	s22 =	simm.s32 $0x1BFF;
	s21 =	sshll.u32 s7, $0x1;
	s4 =	sadd.s32 s19, s18  }
0xa2: {  	s8 =	simm.s32 $0x0;
	s20 =	sshll.u32 s6, $0x1;
	s6 =	sadd.s32 s21, s4  }
0xa3: {  	[timem:s8], [sflag:s22] =	dma.local [hbm:s6], s20  }
0xa4: {  	_ =	swait.ge [sflag:s22], s20  }
0xa5: {  	s5 =	ssub.s32 $0x0, s20;
	[sflag:s22] =	ssyncset.done $0x0  }
0xa6: {  	[sflag:s22] =	ssyncadd.s32 s5;
	_ =	sdelay $0x1  }
0xa7: {  	s23 =	simm.s32 $0x1B8B  }
0xa8: {  	_ =	swait.ge [sflag:s23], $0x1  }
0xa9: {  	[sflag:s23] =	ssyncset.done $0x0  }
0xaa: {  	s25 =	simm.s32 $0x1B8E;
	s24 =	sld [smem:$0x3FFE];
	[sflag:s23] =	ssyncadd.s32 $0xFFFFFFFF  }
0xab: {  	s26 =	simm.s32 $execute0_lowered;
	[smem:$0x3FD2] =	sst s25  }
0xac: {  	s6 =	sshll.u32 s26, $0x1;
	_ =	strace $0x80000046;
	[dreg:$0x1] =	wrdreg $0xFFFFFFFF  }
0xad: {  	s28 =	simm.s32 $_size_execute0_lowered;
	s4 =	sadd.s32 s4, s6;
	[dreg:$0x0] =	wrdreg $0x0  }
0xae: {  	s6 =	sshll.u32 s28, $0x1;
	[dreg:$0x2] =	wrdreg s4  }
0xaf: {  	[dreg:$0x3] =	wrdreg s6  }
0xb0: {  	[dreg:$0x4] =	wrdreg $0xC0  }
0xb1: {  	_ =	task [dreg:s8], $0x5FFFF  }
0xb2: {  	[dreg:$0x1] =	wrdreg $0xFFFFFFFF  }
0xb3: {  	[dreg:$0x0] =	wrdreg $0x60  }
0xb4: {  	[dreg:$0x2] =	wrdreg s15  }
0xb5: {  	[dreg:$0x3] =	wrdreg s24  }
0xb6: {  	[dreg:$0x4] =	wrdreg s16  }
0xb7: {  	[dreg:$0x5] =	wrdreg $0x9  }
0xb8: {  	_ =	task.clear_ibuf [dreg:s8], $0x6FFFF;
	_ =	strace $0x90000046  }
0xb9: {  	s29 =	simm.s32 $0x9;
	_ =	strace $0x80000048  }
0xba: {  	_ =	swait.ge [sflag:s29], $0x1  }
0xbb: {  	[sflag:s29] =	ssyncadd.s32 $0xFFFFFFFF  }
0xbc: {  	_ =	strace $0x90000048  }
0xbd: {  	_ =	sfence  }
0xbe: {  	s30 =	sld [smem:$0x0];
	_ =	sdelay $0x2  }
0xbf: {  	s31 =	sshll.u32 s1, $0xD;
	s1 =	sshrl.u32 s1, $0x2  }
0xc0: {  	s3 =	sand.u32 $0x4000, s31;
	s1 =	sadd.s32 s1, s30  }
0xc1: {  	s0 =	sor.u32 s3, s0;
	s1 =	sshll.u32 s1, $0x11  }
0xc2: {  	s0 =	sor.u32 s1, s0  }
0xc3: {  	s0 =	sadd.s32 $0x8F2B, s0  }
0xc4: {  	[sflag:s0] =	ssyncadd.remote.s32 $0x1  }
0xc5: {  	_ =	sfence.sel $0xFFFF  }
0xc6: {  	[dreg:$0x0] =	wrdreg $0xFFFFFFFF;
	(pc) =	sbr.abs _section_cstart, $3  }
0xc7: {  	[dreg:$0x1] =	wrdreg $0xFFFFFFFF  }
0xc8: {  	_ =	task.clear_ibuf [dreg:s8], $0x2FFFF;
	_ =	strace $0x9FFFFFFF  }
0xc9: {  	(tm) =	ssettm $0x7FFFFFFF  }
tec
execute0_lowered:
.L_overlay_start_1:
0x0: {  	(tag) =	ssettag $0x1  }
0x1: {  	s1 =	rddreg [dreg:$0x0]  }
0x2: {  	s0 =	rddreg [dreg:$0x1]  }
0x3: {  	s2 =	rddreg [dreg:$0x2]  }
0x4: {  	s4 =	srdreg.scid;
	s3 =	simm.s32 $0x0;
	s8 =	stileid.u32  }
0x5: {  	s16 =	simm.s32 $0xA800;
	s17 =	simm.s32 $0xB000;
	[smem:$0x7FF] =	sst s3  }
0x6: {  	s18 =	simm.s32 $0xB800;
	_ =	strace $0x80000047;
	[dreg:$0x5] =	wrdreg s16  }
0x7: {  	s19 =	simm.s32 $0xC000;
	s20 =	simm.s32 $0xC800;
	[dreg:$0x6] =	wrdreg s17  }
0x8: {  	s21 =	simm.s32 $0xD000;
	s22 =	simm.s32 $0xD800;
	[dreg:$0x7] =	wrdreg s18  }
0x9: {  	s23 =	simm.s32 $0xE800;
	s24 =	simm.s32 $0xF000;
	[dreg:$0x8] =	wrdreg s19  }
0xa: {  	s25 =	simm.s32 $0xF800;
	s26 =	simm.s32 $0x10000;
	[dreg:$0x9] =	wrdreg s20  }
0xb: {  	s28 =	simm.s32 $0x10800;
	s29 =	simm.s32 $0x11000;
	[dreg:$0xa] =	wrdreg s21  }
0xc: {  	s30 =	simm.s32 $0x11800;
	s31 =	simm.s32 $0xA000;
	[dreg:$0xb] =	wrdreg s22  }
0xd: {  	s7 =	sand.u32 $0x1, s4;
	s12 =	sshll.u32 s8, $0xB;
	[dreg:$0xc] =	wrdreg s23  }
0xe: {  	s14 =	sshll.u32 s8, $0x12;
	s8 =	sadd.s32 $0x800, s1;
	[dreg:$0xd] =	wrdreg s24  }
0xf: {  	s9 =	sadd.s32 $0xA00, s1;
	s10 =	sadd.s32 $0xC00, s1;
	[dreg:$0xe] =	wrdreg s25  }
0x10: {  	s11 =	sadd.s32 $0xE00, s1;
	s5 =	sshll.u32 s7, $0xA;
	[dreg:$0xf] =	wrdreg s26  }
0x11: {  	s6 =	ssub.s32 $0x2, s7;
	s15 =	sshll.u32 s7, $0x11;
	[dreg:$0x10] =	wrdreg s28  }
0x12: {  	s7 =	sadd.s32 $0x600, s1;
	s22 =	simm.s32 $0x6000;
	[dreg:$0x11] =	wrdreg s29  }
0x13: {  	[dreg:$0x12] =	wrdreg s30;
	s16 =	simm.s32 $0xE000;
	s17 =	simm.s32 $0x2  }
0x14: {  	s18 =	simm.s32 $0x5;
	s19 =	simm.s32 $0x3;
	s20 =	simm.s32 $0x6  }
0x15: {  	s21 =	simm.s32 $0x4;
	s23 =	simm.s32 $0x7;
	s24 =	simm.s32 $0x8  }
0x16: {  	s25 =	simm.s32 $0x0;
	s4 =	sor.u32 s5, s12;
	s13 =	sshrl.u32 s6, $0x1  }
0x17: {  	s5 =	sadd.s32 $0x200, s1;
	s0 =	sadd.s32 s4, s0;
	s12 =	ssub.s32 s6, s13  }
0x18: {  	s6 =	sadd.s32 $0x400, s1;
	s13 =	simm.s32 $0x9;
	s0 =	sadd.s32 $0x600, s0  }
0x19: {  	v0 =	vlaneseq.u32;
	s12 =	smax.u32 s12, $0x1;
	[dreg:$0x13] =	wrdreg s0;
	s0 =	sadd.s32 s14, s2  }
0x1a: {  	v1 =	vshrl.u32 v0, $0x2;
	s14 =	simm.s32 $0x2000;
	s2 =	simm.s32 $0x200;
	s0 =	sadd.s32 s15, s0  }
0x1b: {  	vm0 =	vmmov $0xffff;
	v0 =	vand.u32 $0x3, v0;
	v1 =	vmul.u32 $0x8, v1;
	s15 =	simm.s32 $0x400;
	[dreg:$0x4] =	wrdreg s0;
	s0 =	simm.s32 $0x1  }
.LBB2_1:
0x1c: {  	s4 =	rddreg [dreg:$0x13]  }
0x1d: {  	[tilespmem:s3], [sflag:$0x9] =	stream.linear.gather [hbm4b:s4+s3], $0x2000, $0x38;
	[tilespmem:$0x12000] =	vst v63  }
0x1e: {  	_ =	swait.ge [sflag:s13], $0x2000  }
0x1f: {  	[sflag:s13] =	ssyncset.done $0x0  }
0x20: {  	[sflag:s13] =	ssyncadd.s32 $0xFFFFE000  }
0x21: {  	v2 =	vld.msk [tilespmem:$0x0], $0xf;
	_ =	sdelay $0x4  }
0x22: {  	v3 =	vshll.u32 v2, $0x5  }
0x23: {  	v2 =	vand.u32 $0x7, v2;
	v3 =	vand.u32 $0xFFFFFF00, v3  }
0x24: {  	v2 =	vor.u32 v2, v3  }
0x25: {  	v2 =	vperm.xlane v2, v0;
	_ =	sdelay $0x1  }
0x26: {  	v2 =	vadd.s32 v1, v2;
	_ =	sdelay $0x4  }
0x27: {  	[tilespmem:s14], [sflag:$0x1] =	stream.indirect_vreg.gather [hbm4b:s1+s3], $0x80, v2, vm0, $0xb8;
	[tilespmem:$0x12000] =	vst v63  }
0x28: {  	s29 =	simm.s32 $0x2800  }
0x29: {  	[tilespmem:s29], [sflag:$0x1] =	stream.indirect_vreg.gather [hbm4b:s5+s3], $0x80, v2, vm0, $0xb8;
	[tilespmem:$0x12000] =	vst v63  }
0x2a: {  	s30 =	simm.s32 $0x3000  }
0x2b: {  	[tilespmem:s30], [sflag:$0x1] =	stream.indirect_vreg.gather [hbm4b:s6+s3], $0x80, v2, vm0, $0xb8;
	[tilespmem:$0x12000] =	vst v63  }
0x2c: {  	s26 =	simm.s32 $0x3800  }
0x2d: {  	[tilespmem:s26], [sflag:$0x1] =	stream.indirect_vreg.gather [hbm4b:s7+s3], $0x80, v2, vm0, $0xb8;
	[tilespmem:$0x12000] =	vst v63  }
0x2e: {  	s29 =	simm.s32 $0x4000  }
0x2f: {  	[tilespmem:s29], [sflag:$0x1] =	stream.indirect_vreg.gather [hbm4b:s8+s3], $0x80, v2, vm0, $0xb8;
	[tilespmem:$0x12000] =	vst v63  }
0x30: {  	s30 =	simm.s32 $0x4800  }
0x31: {  	[tilespmem:s30], [sflag:$0x1] =	stream.indirect_vreg.gather [hbm4b:s9+s3], $0x80, v2, vm0, $0xb8;
	[tilespmem:$0x12000] =	vst v63  }
0x32: {  	s26 =	simm.s32 $0x5000  }
0x33: {  	[tilespmem:s26], [sflag:$0x1] =	stream.indirect_vreg.gather [hbm4b:s10+s3], $0x80, v2, vm0, $0xb8;
	[tilespmem:$0x12000] =	vst v63  }
0x34: {  	s29 =	simm.s32 $0x5800  }
0x35: {  	[tilespmem:s29], [sflag:$0x1] =	stream.indirect_vreg.gather [hbm4b:s11+s3], $0x80, v2, vm0, $0xb8;
	[tilespmem:$0x12000] =	vst v63  }
0x36: {  	v2 =	vld.msk [tilespmem:$0x80], $0xf;
	_ =	sdelay $0x4  }
0x37: {  	v3 =	vshll.u32 v2, $0x5  }
0x38: {  	v2 =	vand.u32 $0x7, v2;
	v3 =	vand.u32 $0xFFFFFF00, v3  }
0x39: {  	v2 =	vor.u32 v2, v3  }
0x3a: {  	v2 =	vperm.xlane v2, v0;
	_ =	sdelay $0x1  }
0x3b: {  	v2 =	vadd.s32 v1, v2;
	_ =	sdelay $0x4  }
0x3c: {  	[tilespmem:s22], [sflag:$0x2] =	stream.indirect_vreg.gather [hbm4b:s1+s3], $0x80, v2, vm0, $0xb8;
	[tilespmem:$0x12000] =	vst v63  }
0x3d: {  	s30 =	simm.s32 $0x6800  }
0x3e: {  	[tilespmem:s30], [sflag:$0x2] =	stream.indirect_vreg.gather [hbm4b:s5+s3], $0x80, v2, vm0, $0xb8;
	[tilespmem:$0x12000] =	vst v63  }
0x3f: {  	s26 =	simm.s32 $0x7000  }
0x40: {  	[tilespmem:s26], [sflag:$0x2] =	stream.indirect_vreg.gather [hbm4b:s6+s3], $0x80, v2, vm0, $0xb8;
	[tilespmem:$0x12000] =	vst v63  }
0x41: {  	s29 =	simm.s32 $0x7800  }
0x42: {  	[tilespmem:s29], [sflag:$0x2] =	stream.indirect_vreg.gather [hbm4b:s7+s3], $0x80, v2, vm0, $0xb8;
	[tilespmem:$0x12000] =	vst v63  }
0x43: {  	s30 =	simm.s32 $0x8000  }
0x44: {  	[tilespmem:s30], [sflag:$0x2] =	stream.indirect_vreg.gather [hbm4b:s8+s3], $0x80, v2, vm0, $0xb8;
	[tilespmem:$0x12000] =	vst v63  }
0x45: {  	s26 =	simm.s32 $0x8800  }
0x46: {  	[tilespmem:s26], [sflag:$0x2] =	stream.indirect_vreg.gather [hbm4b:s9+s3], $0x80, v2, vm0, $0xb8;
	[tilespmem:$0x12000] =	vst v63  }
0x47: {  	s29 =	simm.s32 $0x9000  }
0x48: {  	[tilespmem:s29], [sflag:$0x2] =	stream.indirect_vreg.gather [hbm4b:s10+s3], $0x80, v2, vm0, $0xb8;
	[tilespmem:$0x12000] =	vst v63  }
0x49: {  	s28 =	simm.s32 $0x0;
	s30 =	simm.s32 $0x9800;
	s26 =	simm.s32 $0x180  }
0x4a: {  	[tilespmem:s30], [sflag:$0x2] =	stream.indirect_vreg.gather [hbm4b:s11+s3], $0x80, v2, vm0, $0xb8;
	[tilespmem:$0x12000] =	vst v63  }
.LBB2_2:
0x4b: {  	p0 =	seq.s32 s28, $0x0  }
0x4c: {  	s29 =	simm.s32 @!p0 $0x7  }
0x4d: {  	_ =	swait.ge @!p0 [sflag:s29], $0x4000  }
0x4e: {  	[sflag:s29] =	ssyncset.done @!p0 $0x0  }
0x4f: {  	[sflag:s29] =	ssyncadd.s32 @!p0 $0xFFFFC000  }
0x50: {  	v2 =	vld.msk [tilespmem:s26+$0xFFFFFF80], $0xf;
	_ =	sdelay $0x4  }
0x51: {  	v3 =	vshll.u32 v2, $0x5  }
0x52: {  	v2 =	vand.u32 $0x7, v2;
	v3 =	vand.u32 $0xFFFFFF00, v3  }
0x53: {  	v2 =	vor.u32 v2, v3  }
0x54: {  	v2 =	vperm.xlane v2, v0;
	_ =	sdelay $0x1  }
0x55: {  	v2 =	vadd.s32 v1, v2;
	_ =	sdelay $0x4  }
0x56: {  	[tilespmem:s31], [sflag:$0x3] =	stream.indirect_vreg.gather [hbm4b:s1+s3], $0x80, v2, vm0, $0xb8;
	[tilespmem:$0x12000] =	vst v63  }
0x57: {  	s4 =	rddreg [dreg:$0x5]  }
0x58: {  	[tilespmem:s4], [sflag:$0x3] =	stream.indirect_vreg.gather [hbm4b:s5+s3], $0x80, v2, vm0, $0xb8;
	[tilespmem:$0x12000] =	vst v63  }
0x59: {  	s30 =	rddreg [dreg:$0x6]  }
0x5a: {  	[tilespmem:s30], [sflag:$0x3] =	stream.indirect_vreg.gather [hbm4b:s6+s3], $0x80, v2, vm0, $0xb8;
	[tilespmem:$0x12000] =	vst v63  }
0x5b: {  	s4 =	rddreg [dreg:$0x7]  }
0x5c: {  	[tilespmem:s4], [sflag:$0x3] =	stream.indirect_vreg.gather [hbm4b:s7+s3], $0x80, v2, vm0, $0xb8;
	[tilespmem:$0x12000] =	vst v63  }
0x5d: {  	s30 =	rddreg [dreg:$0x8]  }
0x5e: {  	[tilespmem:s30], [sflag:$0x3] =	stream.indirect_vreg.gather [hbm4b:s8+s3], $0x80, v2, vm0, $0xb8;
	[tilespmem:$0x12000] =	vst v63  }
0x5f: {  	s4 =	rddreg [dreg:$0x9]  }
0x60: {  	[tilespmem:s4], [sflag:$0x3] =	stream.indirect_vreg.gather [hbm4b:s9+s3], $0x80, v2, vm0, $0xb8;
	[tilespmem:$0x12000] =	vst v63  }
0x61: {  	s30 =	rddreg [dreg:$0xa]  }
0x62: {  	[tilespmem:s30], [sflag:$0x3] =	stream.indirect_vreg.gather [hbm4b:s10+s3], $0x80, v2, vm0, $0xb8;
	[tilespmem:$0x12000] =	vst v63  }
0x63: {  	s4 =	rddreg [dreg:$0xb]  }
0x64: {  	[tilespmem:s4], [sflag:$0x3] =	stream.indirect_vreg.gather [hbm4b:s11+s3], $0x80, v2, vm0, $0xb8;
	[tilespmem:$0x12000] =	vst v63  }
0x65: {  	_ =	swait.ge [sflag:s0], $0x4000  }
0x66: {  	s4 =	rddreg [dreg:$0x4];
	[sflag:s0] =	ssyncset.done $0x0  }
0x67: {  	s30 =	simm.s32 @!p0 $0x8;
	[sflag:s0] =	ssyncadd.s32 $0xFFFFC000;
	s29 =	sadd.s32 s28, s4  }
0x68: {  	[hbm4b:s29+s2] =	stream.strided.scatter [tilespmem:s14], [sflag:$0x5], $0x4000, s15, s2, $0x38;
	[tilespmem:$0x12000] =	vst v63  }
0x69: {  	_ =	swait.ge @!p0 [sflag:s30], $0x4000  }
0x6a: {  	[sflag:s30] =	ssyncset.done @!p0 $0x0  }
0x6b: {  	[sflag:s30] =	ssyncadd.s32 @!p0 $0xFFFFC000  }
0x6c: {  	v2 =	vld.msk [tilespmem:s26+$0x0], $0xf;
	_ =	sdelay $0x4  }
0x6d: {  	v3 =	vshll.u32 v2, $0x5  }
0x6e: {  	v2 =	vand.u32 $0x7, v2;
	v3 =	vand.u32 $0xFFFFFF00, v3  }
0x6f: {  	v2 =	vor.u32 v2, v3  }
0x70: {  	v2 =	vperm.xlane v2, v0;
	_ =	sdelay $0x1  }
0x71: {  	v2 =	vadd.s32 v1, v2;
	_ =	sdelay $0x4  }
0x72: {  	[tilespmem:s16], [sflag:$0x4] =	stream.indirect_vreg.gather [hbm4b:s1+s3], $0x80, v2, vm0, $0xb8;
	[tilespmem:$0x12000] =	vst v63  }
0x73: {  	s30 =	rddreg [dreg:$0xc]  }
0x74: {  	[tilespmem:s30], [sflag:$0x4] =	stream.indirect_vreg.gather [hbm4b:s5+s3], $0x80, v2, vm0, $0xb8;
	[tilespmem:$0x12000] =	vst v63  }
0x75: {  	s4 =	rddreg [dreg:$0xd]  }
0x76: {  	[tilespmem:s4], [sflag:$0x4] =	stream.indirect_vreg.gather [hbm4b:s6+s3], $0x80, v2, vm0, $0xb8;
	[tilespmem:$0x12000] =	vst v63  }
0x77: {  	s30 =	rddreg [dreg:$0xe]  }
0x78: {  	[tilespmem:s30], [sflag:$0x4] =	stream.indirect_vreg.gather [hbm4b:s7+s3], $0x80, v2, vm0, $0xb8;
	[tilespmem:$0x12000] =	vst v63  }
0x79: {  	s4 =	rddreg [dreg:$0xf]  }
0x7a: {  	[tilespmem:s4], [sflag:$0x4] =	stream.indirect_vreg.gather [hbm4b:s8+s3], $0x80, v2, vm0, $0xb8;
	[tilespmem:$0x12000] =	vst v63  }
0x7b: {  	s30 =	rddreg [dreg:$0x10]  }
0x7c: {  	[tilespmem:s30], [sflag:$0x4] =	stream.indirect_vreg.gather [hbm4b:s9+s3], $0x80, v2, vm0, $0xb8;
	[tilespmem:$0x12000] =	vst v63  }
0x7d: {  	s4 =	rddreg [dreg:$0x11]  }
0x7e: {  	[tilespmem:s4], [sflag:$0x4] =	stream.indirect_vreg.gather [hbm4b:s10+s3], $0x80, v2, vm0, $0xb8;
	[tilespmem:$0x12000] =	vst v63  }
0x7f: {  	s30 =	rddreg [dreg:$0x12]  }
0x80: {  	[tilespmem:s30], [sflag:$0x4] =	stream.indirect_vreg.gather [hbm4b:s11+s3], $0x80, v2, vm0, $0xb8;
	[tilespmem:$0x12000] =	vst v63  }
0x81: {  	_ =	swait.ge [sflag:s17], $0x4000  }
0x82: {  	[sflag:s17] =	ssyncset.done $0x0  }
0x83: {  	s30 =	sadd.s32 $0x40, s29;
	[sflag:s17] =	ssyncadd.s32 $0xFFFFC000  }
0x84: {  	[hbm4b:s30+s2] =	stream.strided.scatter [tilespmem:s22], [sflag:$0x6], $0x4000, s15, s2, $0x38;
	[tilespmem:$0x12000] =	vst v63  }
0x85: {  	_ =	swait.ge [sflag:s18], $0x4000  }
0x86: {  	[sflag:s18] =	ssyncset.done $0x0  }
0x87: {  	p0 =	seq.s32 s28, $0x1E000;
	[sflag:s18] =	ssyncadd.s32 $0xFFFFC000  }
0x88: {  	v2 =	vld.msk @!p0 [tilespmem:s26+$0x80], $0xf;
	_ =	sdelay $0x4  }
0x89: {  	v3 =	vshll.u32 @!p0 v2, $0x5  }
0x8a: {  	v4 =	vlaneseq.u32 @!p0;
	v2 =	vand.u32 @!p0 $0x7, v2;
	v3 =	vand.u32 @!p0 $0xFFFFFF00, v3  }
0x8b: {  	v2 =	vor.u32 @!p0 v2, v3;
	v3 =	vand.u32 @!p0 $0x3, v4;
	v4 =	vshrl.u32 @!p0 v4, $0x2  }
0x8c: {  	v2 =	vperm.xlane @!p0 v2, v3;
	v4 =	vmul.u32 @!p0 $0x8, v4;
	_ =	sdelay $0x1  }
0x8d: {  	v2 =	vadd.s32 @!p0 v4, v2;
	_ =	sdelay $0x3  }
0x8e: {  	vm1 =	vmmov @!p0 $0xffff;
	s4 =	simm.s32 @!p0 $0x0;
	s30 =	simm.s32 @!p0 $0x2000  }
0x8f: {  	[tilespmem:s30], [sflag:$0x1] =	stream.indirect_vreg.gather @!p0 [hbm4b:s1+s4], $0x80, v2, vm1, $0xb8;
	[tilespmem:$0x12000] =	vst v63  }
0x90: {  	s30 =	simm.s32 @!p0 $0x2800  }
0x91: {  	[tilespmem:s30], [sflag:$0x1] =	stream.indirect_vreg.gather @!p0 [hbm4b:s5+s4], $0x80, v2, vm1, $0xb8;
	[tilespmem:$0x12000] =	vst v63  }
0x92: {  	s30 =	simm.s32 @!p0 $0x3000  }
0x93: {  	[tilespmem:s30], [sflag:$0x1] =	stream.indirect_vreg.gather @!p0 [hbm4b:s6+s4], $0x80, v2, vm1, $0xb8;
	[tilespmem:$0x12000] =	vst v63  }
0x94: {  	s30 =	simm.s32 @!p0 $0x3800  }
0x95: {  	[tilespmem:s30], [sflag:$0x1] =	stream.indirect_vreg.gather @!p0 [hbm4b:s7+s4], $0x80, v2, vm1, $0xb8;
	[tilespmem:$0x12000] =	vst v63  }
0x96: {  	s30 =	simm.s32 @!p0 $0x4000  }
0x97: {  	[tilespmem:s30], [sflag:$0x1] =	stream.indirect_vreg.gather @!p0 [hbm4b:s8+s4], $0x80, v2, vm1, $0xb8;
	[tilespmem:$0x12000] =	vst v63  }
0x98: {  	s30 =	simm.s32 @!p0 $0x4800  }
0x99: {  	[tilespmem:s30], [sflag:$0x1] =	stream.indirect_vreg.gather @!p0 [hbm4b:s9+s4], $0x80, v2, vm1, $0xb8;
	[tilespmem:$0x12000] =	vst v63  }
0x9a: {  	s30 =	simm.s32 @!p0 $0x5000  }
0x9b: {  	[tilespmem:s30], [sflag:$0x1] =	stream.indirect_vreg.gather @!p0 [hbm4b:s10+s4], $0x80, v2, vm1, $0xb8;
	[tilespmem:$0x12000] =	vst v63  }
0x9c: {  	s30 =	simm.s32 @!p0 $0x5800  }
0x9d: {  	[tilespmem:s30], [sflag:$0x1] =	stream.indirect_vreg.gather @!p0 [hbm4b:s11+s4], $0x80, v2, vm1, $0xb8;
	[tilespmem:$0x12000] =	vst v63  }
0x9e: {  	_ =	swait.ge [sflag:s19], $0x4000  }
0x9f: {  	[sflag:s19] =	ssyncset.done $0x0  }
0xa0: {  	s30 =	sadd.s32 $0x1000, s29;
	[sflag:s19] =	ssyncadd.s32 $0xFFFFC000  }
0xa1: {  	[hbm4b:s30+s2] =	stream.strided.scatter [tilespmem:s31], [sflag:$0x7], $0x4000, s15, s2, $0x38;
	[tilespmem:$0x12000] =	vst v63  }
0xa2: {  	_ =	swait.ge [sflag:s20], $0x4000  }
0xa3: {  	[sflag:s20] =	ssyncset.done $0x0  }
0xa4: {  	[sflag:s20] =	ssyncadd.s32 $0xFFFFC000  }
0xa5: {  	v2 =	vld.msk @!p0 [tilespmem:s26+$0x100], $0xf;
	_ =	sdelay $0x4  }
0xa6: {  	v5 =	vshll.u32 @!p0 v2, $0x5  }
0xa7: {  	v2 =	vand.u32 @!p0 $0x7, v2;
	v5 =	vand.u32 @!p0 $0xFFFFFF00, v5  }
0xa8: {  	v2 =	vor.u32 @!p0 v2, v5  }
0xa9: {  	v2 =	vperm.xlane @!p0 v2, v3;
	_ =	sdelay $0x1  }
0xaa: {  	v2 =	vadd.s32 @!p0 v4, v2;
	_ =	sdelay $0x3  }
0xab: {  	s30 =	simm.s32 @!p0 $0x6000  }
0xac: {  	[tilespmem:s30], [sflag:$0x2] =	stream.indirect_vreg.gather @!p0 [hbm4b:s1+s4], $0x80, v2, vm1, $0xb8;
	[tilespmem:$0x12000] =	vst v63  }
0xad: {  	s30 =	simm.s32 @!p0 $0x6800  }
0xae: {  	[tilespmem:s30], [sflag:$0x2] =	stream.indirect_vreg.gather @!p0 [hbm4b:s5+s4], $0x80, v2, vm1, $0xb8;
	[tilespmem:$0x12000] =	vst v63  }
0xaf: {  	s30 =	simm.s32 @!p0 $0x7000  }
0xb0: {  	[tilespmem:s30], [sflag:$0x2] =	stream.indirect_vreg.gather @!p0 [hbm4b:s6+s4], $0x80, v2, vm1, $0xb8;
	[tilespmem:$0x12000] =	vst v63  }
0xb1: {  	s30 =	simm.s32 @!p0 $0x7800  }
0xb2: {  	[tilespmem:s30], [sflag:$0x2] =	stream.indirect_vreg.gather @!p0 [hbm4b:s7+s4], $0x80, v2, vm1, $0xb8;
	[tilespmem:$0x12000] =	vst v63  }
0xb3: {  	s30 =	simm.s32 @!p0 $0x8000  }
0xb4: {  	[tilespmem:s30], [sflag:$0x2] =	stream.indirect_vreg.gather @!p0 [hbm4b:s8+s4], $0x80, v2, vm1, $0xb8;
	[tilespmem:$0x12000] =	vst v63  }
0xb5: {  	s30 =	simm.s32 @!p0 $0x8800  }
0xb6: {  	[tilespmem:s30], [sflag:$0x2] =	stream.indirect_vreg.gather @!p0 [hbm4b:s9+s4], $0x80, v2, vm1, $0xb8;
	[tilespmem:$0x12000] =	vst v63  }
0xb7: {  	s30 =	simm.s32 @!p0 $0x9000  }
0xb8: {  	[tilespmem:s30], [sflag:$0x2] =	stream.indirect_vreg.gather @!p0 [hbm4b:s10+s4], $0x80, v2, vm1, $0xb8;
	[tilespmem:$0x12000] =	vst v63  }
0xb9: {  	s28 =	sadd.s32 $0x2000, s28;
	s30 =	simm.s32 @!p0 $0x9800  }
0xba: {  	[tilespmem:s30], [sflag:$0x2] =	stream.indirect_vreg.gather @!p0 [hbm4b:s11+s4], $0x80, v2, vm1, $0xb8;
	[tilespmem:$0x12000] =	vst v63  }
0xbb: {  	p0 =	sne.s32 s28, $0x20000  }
.Ltmp0:
0xbc: {  	_ = 	snop;
	(pc) =	sbr.rel @p0 .LBB2_2-.Ltmp0, $4  }
0xbd: {  	_ =	swait.ge [sflag:s21], $0x4000  }
0xbe: {  	[sflag:s21] =	ssyncset.done $0x0  }
0xbf: {  	s26 =	sadd.s32 $0x200, s26;
	s30 =	sadd.s32 $0x1040, s29;
	[sflag:s21] =	ssyncadd.s32 $0xFFFFC000  }
0xc0: {  	[hbm4b:s30+s2] =	stream.strided.scatter [tilespmem:s16], [sflag:$0x8], $0x4000, s15, s2, $0x38;
	[tilespmem:$0x12000] =	vst v63  }
0xc1: {  	s25 =	sadd.s32 $0x1, s25  }
0xc2: {  	_ =	swait.ge [sflag:s23], $0x4000;
	p0 =	sne.s32 s25, s12  }
.Ltmp1:
0xc3: {  	[sflag:s23] =	ssyncset.done $0x0;
	(pc) =	sbr.rel @p0 .LBB2_1-.Ltmp1, $4  }
0xc4: {  	[sflag:s23] =	ssyncadd.s32 $0xFFFFC000  }
0xc5: {  	_ =	swait.ge [sflag:s24], $0x4000  }
0xc6: {  	[sflag:s24] =	ssyncset.done $0x0  }
0xc7: {  	[sflag:s24] =	ssyncadd.s32 $0xFFFFC000  }
0xc8: {  	_ =	sfence.sel $0x180000  }
0xc9: {  	[bflag:$0x0] =	sbarrier.arrive $0xFFFF  }
0xca: {  	_ =	strace $0x90000047  }
0xcb: {  	s0 =	stileid.u32;
	[bflag:$0x2] =	sbarrier.arrive $0xFFFF  }
0xcc: {  	p0 =	sne.s32 s0, $0x0;
	s0 =	rddreg [dreg:$0x3]  }
0xcd: {  	s0 =	sadd.s32 @!p0 $0x100000, s0  }
0xce: {  	[sflag:s0] =	ssyncadd.tile.s32 @!p0 $0x1;
	_ =	shalt  }
.Lfunc_end2:
_tile_overlayer_lowered:
.L_overlay_start_2:
0xcf: {  	(tag) =	ssettag $0x2  }
0xd0: {  	s0 =	rddreg [dreg:$0x0];
	s2 =	stileid.u32  }
0xd1: {  	s1 =	rddreg [dreg:$0x1];
	p0 =	sne.s32 s2, $0x0  }
0xd2: {  	s3 =	rddreg [dreg:$0x2];
	[bflag:$0x3] =	sbarrier.arrive $0xFFFF;
	s2 =	simm.s32 @!p0 $0x1C09  }
0xd3: {  	[timem:s3], [sflag:s2] =	dma.local @!p0 [hbm:s0], s1  }
0xd4: {  	s0 =	simm.s32 @!p0 $0x9  }
0xd5: {  	_ =	swait.ge @!p0 [sflag:s0], s1  }
0xd6: {  	s1 =	ssub.s32 @!p0 $0x0, s1;
	[sflag:s0] =	ssyncset.done @!p0 $0x0  }
0xd7: {  	[sflag:s0] =	ssyncadd.s32 @!p0 s1  }
0xd8: {  	[bflag:$0x3] =	sbarrier.arrive $0xFFFF  }
0xd9: {  	_ =	shalt  }

</sc_bundles>
